<compile_context>
chip_gen: v7x
topology: tpu7x:2x2x1
jax: 0.10.2.dev20260603
libtpu: 0.0.44.dev20260713+nightly
codegen_flags: <defaults>
</compile_context>

<pallas_src>
import functools

import jax
import jax.numpy as jnp
from jax import lax
from jax.experimental import pallas as pl
from jax.experimental.pallas import tpu as pltpu
from jax.experimental.pallas import tpu_sc as plsc

NUM_CORES = 2
NUM_SUBCORES = 16
NUM_WORKERS = NUM_CORES * NUM_SUBCORES
LANES = 16
ROWS = 64
COLS = 32768
ROWS_PER_WORKER = ROWS // NUM_WORKERS
VECS_PER_ROW = COLS // LANES


def _row_violations(buf, acc):

    def body(i, acc):
        j = i * LANES
        a = buf[pl.ds(j, LANES)]
        b = buf[pl.ds(j + 1, LANES)]
        return acc + jnp.where(a > b, 1.0, 0.0)

    return lax.fori_loop(0, VECS_PER_ROW, body, acc, unroll=4)


@functools.partial(
    pl.kernel,
    out_type=jax.ShapeDtypeStruct((NUM_WORKERS, LANES), jnp.float32),
    mesh=plsc.VectorSubcoreMesh(
        core_axis_name="c",
        subcore_axis_name="s",
        num_cores=NUM_CORES,
        num_subcores=NUM_SUBCORES,
    ),
    scratch_types=[
        pltpu.VMEM((COLS + LANES,), jnp.float32),
        pltpu.VMEM((COLS + LANES,), jnp.float32),
        pltpu.VMEM((LANES,), jnp.float32),
        pltpu.SemaphoreType.DMA,
        pltpu.SemaphoreType.DMA,
    ],
)
def _sorted_check(x_hbm, out_hbm, buf0, buf1, res_v, sem0, sem1):
    wid = lax.axis_index("s") * NUM_CORES + lax.axis_index("c")
    r0 = wid * ROWS_PER_WORKER
    cp0 = pltpu.async_copy(x_hbm.at[r0], buf0.at[pl.ds(0, COLS)], sem0)
    cp1 = pltpu.async_copy(x_hbm.at[r0 + 1], buf1.at[pl.ds(0, COLS)], sem1)
    sentinel = jnp.full((LANES,), jnp.inf, dtype=jnp.float32)
    cp0.wait()
    buf0[pl.ds(COLS, LANES)] = sentinel
    acc = _row_violations(buf0, jnp.zeros((LANES,), jnp.float32))
    cp1.wait()
    buf1[pl.ds(COLS, LANES)] = sentinel
    acc = _row_violations(buf1, acc)
    res_v[...] = acc
    pltpu.sync_copy(res_v, out_hbm.at[wid])


def kernel(x):
    counts = _sorted_check(x)
    return (jnp.sum(counts) == 0.0).astype(jnp.float32)

# --- scband reference (transcript-rebuilt; emitter-appended) ---
"""Pipeline reference for scband-my-model-61933428416344 (READ-ONLY COPY).

The authoritative reference and input builder live on the scoring server;
editing this copy changes nothing except your own understanding.
"""

import jax, jax.numpy as jnp
import numpy as np


def setup_inputs(seed: int = 0) -> dict:
    key = jax.random.key(seed)
    x = jax.random.normal(key, (64, 32768), dtype=jnp.float32)
    return {"x": x}


def reference(x):
    # torch.sort(x) sorts along the last dimension by default
    sorted_vals = jnp.sort(x, axis=-1)
    return jnp.all(sorted_vals == x).astype(jnp.float32)

if __name__ == "__main__":
    import jax
    _d = setup_inputs()
    print(jax.jit(kernel)(*tuple(_d.values())))

</pallas_src>

<mosaic_0001>
#map = affine_map<(d0, d1) -> (0, 0)>
module attributes {stable_mosaic.version = 14 : i64} {
  func.func @_sorted_check(%arg0: i32, %arg1: i32, %arg2: memref<64x32768xf32, #tpu.memory_space<hbm>>, %arg3: memref<32x16xf32, #tpu.memory_space<hbm>>, %arg4: memref<32784xf32, #tpu.memory_space<vmem>>, %arg5: memref<32784xf32, #tpu.memory_space<vmem>>, %arg6: memref<16xf32, #tpu.memory_space<vmem>>, %arg7: memref<!tpu.dma_semaphore, #tpu.memory_space<semaphore_mem>>, %arg8: memref<!tpu.dma_semaphore, #tpu.memory_space<semaphore_mem>>) attributes {dimension_semantics = [#tpu.dimension_semantics<core_parallel>, #tpu.dimension_semantics<subcore_parallel>], iteration_bounds = array<i64: 2, 16>, scalar_prefetch = 0 : i64, scratch_operands = 5 : i64, tpu.core_type = #tpu.core_type<sc_vector_subcore>, window_params = [{transform_indices = #map}, {transform_indices = #map}]} {
    %mul3A = arith.constant 2 : i32
    %mul3A_0 = arith.muli %arg1, %mul3A : i32
    %add3A = arith.addi %mul3A_0, %arg0 : i32
    %mul3A_1 = arith.constant 2 : i32
    %mul3A_2 = arith.muli %add3A, %mul3A_1 : i32
    %dma_start3A = arith.constant 0 : i32
    %dma_start3A_3 = tpu.memref_slice %arg4[%dma_start3A] : memref<32784xf32, #tpu.memory_space<vmem>> -> memref<32768xf32, #tpu.memory_space<vmem>>
    %dma_start3A_4 = arith.constant 0 : i32
    %dma_start3A_5 = tpu.memref_slice %arg2[%mul3A_2, %dma_start3A_4] : memref<64x32768xf32, #tpu.memory_space<hbm>> -> memref<1x32768xf32, #tpu.memory_space<hbm>>
    %dma_start3A_6 = tpu.memref_squeeze %dma_start3A_5 : memref<1x32768xf32, #tpu.memory_space<hbm>> -> memref<32768xf32, #tpu.memory_space<hbm>>
    %dma_start3A_7 = arith.constant 0 : i32
    %dma_start3A_8 = tpu.memref_slice %arg4[%dma_start3A_7] : memref<32784xf32, #tpu.memory_space<vmem>> -> memref<32768xf32, #tpu.memory_space<vmem>>
    %dma_start3A_9 = arith.constant 0 : i32
    %dma_start3A_10 = tpu.memref_slice %arg2[%mul3A_2, %dma_start3A_9] : memref<64x32768xf32, #tpu.memory_space<hbm>> -> memref<1x32768xf32, #tpu.memory_space<hbm>>
    %dma_start3A_11 = tpu.memref_squeeze %dma_start3A_10 : memref<1x32768xf32, #tpu.memory_space<hbm>> -> memref<32768xf32, #tpu.memory_space<hbm>>
    tpu.enqueue_dma source(%dma_start3A_11 : memref<32768xf32, #tpu.memory_space<hbm>>) target(%dma_start3A_8 : memref<32768xf32, #tpu.memory_space<vmem>>) target_semaphore(%arg7 : memref<!tpu.dma_semaphore, #tpu.memory_space<semaphore_mem>>)
    %add3A_12 = arith.constant 1 : i32
    %add3A_13 = arith.addi %mul3A_2, %add3A_12 : i32
    %dma_start3A_14 = arith.constant 0 : i32
    %dma_start3A_15 = tpu.memref_slice %arg5[%dma_start3A_14] : memref<32784xf32, #tpu.memory_space<vmem>> -> memref<32768xf32, #tpu.memory_space<vmem>>
    %dma_start3A_16 = arith.constant 0 : i32
    %dma_start3A_17 = tpu.memref_slice %arg2[%add3A_13, %dma_start3A_16] : memref<64x32768xf32, #tpu.memory_space<hbm>> -> memref<1x32768xf32, #tpu.memory_space<hbm>>
    %dma_start3A_18 = tpu.memref_squeeze %dma_start3A_17 : memref<1x32768xf32, #tpu.memory_space<hbm>> -> memref<32768xf32, #tpu.memory_space<hbm>>
    %dma_start3A_19 = arith.constant 0 : i32
    %dma_start3A_20 = tpu.memref_slice %arg5[%dma_start3A_19] : memref<32784xf32, #tpu.memory_space<vmem>> -> memref<32768xf32, #tpu.memory_space<vmem>>
    %dma_start3A_21 = arith.constant 0 : i32
    %dma_start3A_22 = tpu.memref_slice %arg2[%add3A_13, %dma_start3A_21] : memref<64x32768xf32, #tpu.memory_space<hbm>> -> memref<1x32768xf32, #tpu.memory_space<hbm>>
    %dma_start3A_23 = tpu.memref_squeeze %dma_start3A_22 : memref<1x32768xf32, #tpu.memory_space<hbm>> -> memref<32768xf32, #tpu.memory_space<hbm>>
    tpu.enqueue_dma source(%dma_start3A_23 : memref<32768xf32, #tpu.memory_space<hbm>>) target(%dma_start3A_20 : memref<32768xf32, #tpu.memory_space<vmem>>) target_semaphore(%arg8 : memref<!tpu.dma_semaphore, #tpu.memory_space<semaphore_mem>>)
    %broadcast_in_dim3A = arith.constant 0x7F800000 : f32
    %broadcast_in_dim3A_24 = vector.broadcast %broadcast_in_dim3A : f32 to vector<16xf32>
    %dma_wait3A = arith.constant 0 : i32
    %dma_wait3A_25 = tpu.memref_slice %arg4[%dma_wait3A] : memref<32784xf32, #tpu.memory_space<vmem>> -> memref<32768xf32, #tpu.memory_space<vmem>>
    %dma_wait3A_26 = arith.constant 0 : i32
    %dma_wait3A_27 = tpu.memref_slice %arg2[%mul3A_2, %dma_wait3A_26] : memref<64x32768xf32, #tpu.memory_space<hbm>> -> memref<1x32768xf32, #tpu.memory_space<hbm>>
    %dma_wait3A_28 = tpu.memref_squeeze %dma_wait3A_27 : memref<1x32768xf32, #tpu.memory_space<hbm>> -> memref<32768xf32, #tpu.memory_space<hbm>>
    %dma_wait3A_29 = arith.constant 0 : i32
    %dma_wait3A_30 = tpu.memref_slice %arg4[%dma_wait3A_29] : memref<32784xf32, #tpu.memory_space<vmem>> -> memref<32768xf32, #tpu.memory_space<vmem>>
    %dma_wait3A_31 = arith.constant 0 : i32
    %dma_wait3A_32 = tpu.memref_slice %arg2[%mul3A_2, %dma_wait3A_31] : memref<64x32768xf32, #tpu.memory_space<hbm>> -> memref<1x32768xf32, #tpu.memory_space<hbm>>
    %dma_wait3A_33 = tpu.memref_squeeze %dma_wait3A_32 : memref<1x32768xf32, #tpu.memory_space<hbm>> -> memref<32768xf32, #tpu.memory_space<hbm>>
    tpu.wait_dma2 semaphore(%arg7 : memref<!tpu.dma_semaphore, #tpu.memory_space<semaphore_mem>>) src(%dma_wait3A_33 : memref<32768xf32, #tpu.memory_space<hbm>>) dst(%dma_wait3A_30 : memref<32768xf32, #tpu.memory_space<vmem>>)
    %swap3A = arith.constant 32768 : index
    %swap3A_34 = tpu.vector_load %arg4[%swap3A] {strides = array<i32>} : memref<32784xf32, #tpu.memory_space<vmem>>, vector<16xf32>,
    %swap3A_35 = vector.shape_cast %swap3A_34 : vector<16xf32> to vector<16xf32>
    %swap3A_36 = vector.shape_cast %broadcast_in_dim3A_24 : vector<16xf32> to vector<16xf32>
    tpu.vector_store %arg4[%swap3A], %swap3A_36 {strides = array<i32>} : memref<32784xf32, #tpu.memory_space<vmem>>, vector<16xf32>,
    %broadcast_in_dim3A_37 = arith.constant 0.000000e+00 : f32
    %broadcast_in_dim3A_38 = vector.broadcast %broadcast_in_dim3A_37 : f32 to vector<16xf32>
    %scan3A = arith.constant 0 : i32
    %scan3A_39 = arith.constant 2048 : i32
    %scan3A_40 = arith.addi %scan3A, %scan3A_39 : i32
    %scan3A_41 = arith.constant 4 : i32
    %scan3A_42 = scf.for %scan3A_68 = %scan3A to %scan3A_40 step %scan3A_41 iter_args(%scan3A_69 = %broadcast_in_dim3A_38) -> (vector<16xf32>)  : i32 {
      %mul3A_70 = arith.constant 16 : i32
      %mul3A_71 = arith.muli %scan3A_68, %mul3A_70 : i32
      %get3A = arith.index_cast %mul3A_71 : i32 to index
      %get3A_72 = tpu.vector_load %arg4[%get3A] {strides = array<i32>} : memref<32784xf32, #tpu.memory_space<vmem>>, vector<16xf32>,
      %get3A_73 = vector.shape_cast %get3A_72 : vector<16xf32> to vector<16xf32>
      %add3A_74 = arith.constant 1 : i32
      %add3A_75 = arith.addi %mul3A_71, %add3A_74 : i32
      %get3A_76 = arith.index_cast %add3A_75 : i32 to index
      %get3A_77 = tpu.vector_load %arg4[%get3A_76] {strides = array<i32>} : memref<32784xf32, #tpu.memory_space<vmem>>, vector<16xf32>,
      %get3A_78 = vector.shape_cast %get3A_77 : vector<16xf32> to vector<16xf32>
      %gt3A = arith.cmpf ogt, %get3A_73, %get3A_78 : vector<16xf32>
      %jit3A = arith.constant 1.000000e+00 : f32
      %jit3A_79 = arith.constant 0.000000e+00 : f32
      %broadcast_in_dim3A_80 = vector.broadcast %jit3A : f32 to vector<16xf32>
      %broadcast_in_dim3A_81 = vector.broadcast %jit3A_79 : f32 to vector<16xf32>
      %select_n3A = arith.select %gt3A, %broadcast_in_dim3A_80, %broadcast_in_dim3A_81 : vector<16xi1>, vector<16xf32>
      %add3A_82 = arith.addf %scan3A_69, %select_n3A : vector<16xf32>
      %scan3A_83 = arith.constant 1 : i32
      %scan3A_84 = arith.addi %scan3A_68, %scan3A_83 : i32
      %mul3A_85 = arith.constant 16 : i32
      %mul3A_86 = arith.muli %scan3A_84, %mul3A_85 : i32
      %get3A_87 = arith.index_cast %mul3A_86 : i32 to index
      %get3A_88 = tpu.vector_load %arg4[%get3A_87] {strides = array<i32>} : memref<32784xf32, #tpu.memory_space<vmem>>, vector<16xf32>,
      %get3A_89 = vector.shape_cast %get3A_88 : vector<16xf32> to vector<16xf32>
      %add3A_90 = arith.constant 1 : i32
      %add3A_91 = arith.addi %mul3A_86, %add3A_90 : i32
      %get3A_92 = arith.index_cast %add3A_91 : i32 to index
      %get3A_93 = tpu.vector_load %arg4[%get3A_92] {strides = array<i32>} : memref<32784xf32, #tpu.memory_space<vmem>>, vector<16xf32>,
      %get3A_94 = vector.shape_cast %get3A_93 : vector<16xf32> to vector<16xf32>
      %gt3A_95 = arith.cmpf ogt, %get3A_89, %get3A_94 : vector<16xf32>
      %jit3A_96 = arith.constant 1.000000e+00 : f32
      %jit3A_97 = arith.constant 0.000000e+00 : f32
      %broadcast_in_dim3A_98 = vector.broadcast %jit3A_96 : f32 to vector<16xf32>
      %broadcast_in_dim3A_99 = vector.broadcast %jit3A_97 : f32 to vector<16xf32>
      %select_n3A_100 = arith.select %gt3A_95, %broadcast_in_dim3A_98, %broadcast_in_dim3A_99 : vector<16xi1>, vector<16xf32>
      %add3A_101 = arith.addf %add3A_82, %select_n3A_100 : vector<16xf32>
      %scan3A_102 = arith.constant 2 : i32
      %scan3A_103 = arith.addi %scan3A_68, %scan3A_102 : i32
      %mul3A_104 = arith.constant 16 : i32
      %mul3A_105 = arith.muli %scan3A_103, %mul3A_104 : i32
      %get3A_106 = arith.index_cast %mul3A_105 : i32 to index
      %get3A_107 = tpu.vector_load %arg4[%get3A_106] {strides = array<i32>} : memref<32784xf32, #tpu.memory_space<vmem>>, vector<16xf32>,
      %get3A_108 = vector.shape_cast %get3A_107 : vector<16xf32> to vector<16xf32>
      %add3A_109 = arith.constant 1 : i32
      %add3A_110 = arith.addi %mul3A_105, %add3A_109 : i32
      %get3A_111 = arith.index_cast %add3A_110 : i32 to index
      %get3A_112 = tpu.vector_load %arg4[%get3A_111] {strides = array<i32>} : memref<32784xf32, #tpu.memory_space<vmem>>, vector<16xf32>,
      %get3A_113 = vector.shape_cast %get3A_112 : vector<16xf32> to vector<16xf32>
      %gt3A_114 = arith.cmpf ogt, %get3A_108, %get3A_113 : vector<16xf32>
      %jit3A_115 = arith.constant 1.000000e+00 : f32
      %jit3A_116 = arith.constant 0.000000e+00 : f32
      %broadcast_in_dim3A_117 = vector.broadcast %jit3A_115 : f32 to vector<16xf32>
      %broadcast_in_dim3A_118 = vector.broadcast %jit3A_116 : f32 to vector<16xf32>
      %select_n3A_119 = arith.select %gt3A_114, %broadcast_in_dim3A_117, %broadcast_in_dim3A_118 : vector<16xi1>, vector<16xf32>
      %add3A_120 = arith.addf %add3A_101, %select_n3A_119 : vector<16xf32>
      %scan3A_121 = arith.constant 3 : i32
      %scan3A_122 = arith.addi %scan3A_68, %scan3A_121 : i32
      %mul3A_123 = arith.constant 16 : i32
      %mul3A_124 = arith.muli %scan3A_122, %mul3A_123 : i32
      %get3A_125 = arith.index_cast %mul3A_124 : i32 to index
      %get3A_126 = tpu.vector_load %arg4[%get3A_125] {strides = array<i32>} : memref<32784xf32, #tpu.memory_space<vmem>>, vector<16xf32>,
      %get3A_127 = vector.shape_cast %get3A_126 : vector<16xf32> to vector<16xf32>
      %add3A_128 = arith.constant 1 : i32
      %add3A_129 = arith.addi %mul3A_124, %add3A_128 : i32
      %get3A_130 = arith.index_cast %add3A_129 : i32 to index
      %get3A_131 = tpu.vector_load %arg4[%get3A_130] {strides = array<i32>} : memref<32784xf32, #tpu.memory_space<vmem>>, vector<16xf32>,
      %get3A_132 = vector.shape_cast %get3A_131 : vector<16xf32> to vector<16xf32>
      %gt3A_133 = arith.cmpf ogt, %get3A_127, %get3A_132 : vector<16xf32>
      %jit3A_134 = arith.constant 1.000000e+00 : f32
      %jit3A_135 = arith.constant 0.000000e+00 : f32
      %broadcast_in_dim3A_136 = vector.broadcast %jit3A_134 : f32 to vector<16xf32>
      %broadcast_in_dim3A_137 = vector.broadcast %jit3A_135 : f32 to vector<16xf32>
      %select_n3A_138 = arith.select %gt3A_133, %broadcast_in_dim3A_136, %broadcast_in_dim3A_137 : vector<16xi1>, vector<16xf32>
      %add3A_139 = arith.addf %add3A_120, %select_n3A_138 : vector<16xf32>
      scf.yield %add3A_139 : vector<16xf32>
    }
    %scan3A_43 = arith.constant 2048 : i32
    %dma_wait3A_44 = arith.constant 0 : i32
    %dma_wait3A_45 = tpu.memref_slice %arg5[%dma_wait3A_44] : memref<32784xf32, #tpu.memory_space<vmem>> -> memref<32768xf32, #tpu.memory_space<vmem>>
    %dma_wait3A_46 = arith.constant 0 : i32
    %dma_wait3A_47 = tpu.memref_slice %arg2[%add3A_13, %dma_wait3A_46] : memref<64x32768xf32, #tpu.memory_space<hbm>> -> memref<1x32768xf32, #tpu.memory_space<hbm>>
    %dma_wait3A_48 = tpu.memref_squeeze %dma_wait3A_47 : memref<1x32768xf32, #tpu.memory_space<hbm>> -> memref<32768xf32, #tpu.memory_space<hbm>>
    %dma_wait3A_49 = arith.constant 0 : i32
    %dma_wait3A_50 = tpu.memref_slice %arg5[%dma_wait3A_49] : memref<32784xf32, #tpu.memory_space<vmem>> -> memref<32768xf32, #tpu.memory_space<vmem>>
    %dma_wait3A_51 = arith.constant 0 : i32
    %dma_wait3A_52 = tpu.memref_slice %arg2[%add3A_13, %dma_wait3A_51] : memref<64x32768xf32, #tpu.memory_space<hbm>> -> memref<1x32768xf32, #tpu.memory_space<hbm>>
    %dma_wait3A_53 = tpu.memref_squeeze %dma_wait3A_52 : memref<1x32768xf32, #tpu.memory_space<hbm>> -> memref<32768xf32, #tpu.memory_space<hbm>>
    tpu.wait_dma2 semaphore(%arg8 : memref<!tpu.dma_semaphore, #tpu.memory_space<semaphore_mem>>) src(%dma_wait3A_53 : memref<32768xf32, #tpu.memory_space<hbm>>) dst(%dma_wait3A_50 : memref<32768xf32, #tpu.memory_space<vmem>>)
    %swap3A_54 = arith.constant 32768 : index
    %swap3A_55 = tpu.vector_load %arg5[%swap3A_54] {strides = array<i32>} : memref<32784xf32, #tpu.memory_space<vmem>>, vector<16xf32>,
    %swap3A_56 = vector.shape_cast %swap3A_55 : vector<16xf32> to vector<16xf32>
    %swap3A_57 = vector.shape_cast %broadcast_in_dim3A_24 : vector<16xf32> to vector<16xf32>
    tpu.vector_store %arg5[%swap3A_54], %swap3A_57 {strides = array<i32>} : memref<32784xf32, #tpu.memory_space<vmem>>, vector<16xf32>,
    %scan3A_58 = arith.constant 0 : i32
    %scan3A_59 = arith.constant 2048 : i32
    %scan3A_60 = arith.addi %scan3A_58, %scan3A_59 : i32
    %scan3A_61 = arith.constant 4 : i32
    %scan3A_62 = scf.for %scan3A_68 = %scan3A_58 to %scan3A_60 step %scan3A_61 iter_args(%scan3A_69 = %scan3A_42) -> (vector<16xf32>)  : i32 {
      %mul3A_70 = arith.constant 16 : i32
      %mul3A_71 = arith.muli %scan3A_68, %mul3A_70 : i32
      %get3A = arith.index_cast %mul3A_71 : i32 to index
      %get3A_72 = tpu.vector_load %arg5[%get3A] {strides = array<i32>} : memref<32784xf32, #tpu.memory_space<vmem>>, vector<16xf32>,
      %get3A_73 = vector.shape_cast %get3A_72 : vector<16xf32> to vector<16xf32>
      %add3A_74 = arith.constant 1 : i32
      %add3A_75 = arith.addi %mul3A_71, %add3A_74 : i32
      %get3A_76 = arith.index_cast %add3A_75 : i32 to index
      %get3A_77 = tpu.vector_load %arg5[%get3A_76] {strides = array<i32>} : memref<32784xf32, #tpu.memory_space<vmem>>, vector<16xf32>,
      %get3A_78 = vector.shape_cast %get3A_77 : vector<16xf32> to vector<16xf32>
      %gt3A = arith.cmpf ogt, %get3A_73, %get3A_78 : vector<16xf32>
      %jit3A = arith.constant 1.000000e+00 : f32
      %jit3A_79 = arith.constant 0.000000e+00 : f32
      %broadcast_in_dim3A_80 = vector.broadcast %jit3A : f32 to vector<16xf32>
      %broadcast_in_dim3A_81 = vector.broadcast %jit3A_79 : f32 to vector<16xf32>
      %select_n3A = arith.select %gt3A, %broadcast_in_dim3A_80, %broadcast_in_dim3A_81 : vector<16xi1>, vector<16xf32>
      %add3A_82 = arith.addf %scan3A_69, %select_n3A : vector<16xf32>
      %scan3A_83 = arith.constant 1 : i32
      %scan3A_84 = arith.addi %scan3A_68, %scan3A_83 : i32
      %mul3A_85 = arith.constant 16 : i32
      %mul3A_86 = arith.muli %scan3A_84, %mul3A_85 : i32
      %get3A_87 = arith.index_cast %mul3A_86 : i32 to index
      %get3A_88 = tpu.vector_load %arg5[%get3A_87] {strides = array<i32>} : memref<32784xf32, #tpu.memory_space<vmem>>, vector<16xf32>,
      %get3A_89 = vector.shape_cast %get3A_88 : vector<16xf32> to vector<16xf32>
      %add3A_90 = arith.constant 1 : i32
      %add3A_91 = arith.addi %mul3A_86, %add3A_90 : i32
      %get3A_92 = arith.index_cast %add3A_91 : i32 to index
      %get3A_93 = tpu.vector_load %arg5[%get3A_92] {strides = array<i32>} : memref<32784xf32, #tpu.memory_space<vmem>>, vector<16xf32>,
      %get3A_94 = vector.shape_cast %get3A_93 : vector<16xf32> to vector<16xf32>
      %gt3A_95 = arith.cmpf ogt, %get3A_89, %get3A_94 : vector<16xf32>
      %jit3A_96 = arith.constant 1.000000e+00 : f32
      %jit3A_97 = arith.constant 0.000000e+00 : f32
      %broadcast_in_dim3A_98 = vector.broadcast %jit3A_96 : f32 to vector<16xf32>
      %broadcast_in_dim3A_99 = vector.broadcast %jit3A_97 : f32 to vector<16xf32>
      %select_n3A_100 = arith.select %gt3A_95, %broadcast_in_dim3A_98, %broadcast_in_dim3A_99 : vector<16xi1>, vector<16xf32>
      %add3A_101 = arith.addf %add3A_82, %select_n3A_100 : vector<16xf32>
      %scan3A_102 = arith.constant 2 : i32
      %scan3A_103 = arith.addi %scan3A_68, %scan3A_102 : i32
      %mul3A_104 = arith.constant 16 : i32
      %mul3A_105 = arith.muli %scan3A_103, %mul3A_104 : i32
      %get3A_106 = arith.index_cast %mul3A_105 : i32 to index
      %get3A_107 = tpu.vector_load %arg5[%get3A_106] {strides = array<i32>} : memref<32784xf32, #tpu.memory_space<vmem>>, vector<16xf32>,
      %get3A_108 = vector.shape_cast %get3A_107 : vector<16xf32> to vector<16xf32>
      %add3A_109 = arith.constant 1 : i32
      %add3A_110 = arith.addi %mul3A_105, %add3A_109 : i32
      %get3A_111 = arith.index_cast %add3A_110 : i32 to index
      %get3A_112 = tpu.vector_load %arg5[%get3A_111] {strides = array<i32>} : memref<32784xf32, #tpu.memory_space<vmem>>, vector<16xf32>,
      %get3A_113 = vector.shape_cast %get3A_112 : vector<16xf32> to vector<16xf32>
      %gt3A_114 = arith.cmpf ogt, %get3A_108, %get3A_113 : vector<16xf32>
      %jit3A_115 = arith.constant 1.000000e+00 : f32
      %jit3A_116 = arith.constant 0.000000e+00 : f32
      %broadcast_in_dim3A_117 = vector.broadcast %jit3A_115 : f32 to vector<16xf32>
      %broadcast_in_dim3A_118 = vector.broadcast %jit3A_116 : f32 to vector<16xf32>
      %select_n3A_119 = arith.select %gt3A_114, %broadcast_in_dim3A_117, %broadcast_in_dim3A_118 : vector<16xi1>, vector<16xf32>
      %add3A_120 = arith.addf %add3A_101, %select_n3A_119 : vector<16xf32>
      %scan3A_121 = arith.constant 3 : i32
      %scan3A_122 = arith.addi %scan3A_68, %scan3A_121 : i32
      %mul3A_123 = arith.constant 16 : i32
      %mul3A_124 = arith.muli %scan3A_122, %mul3A_123 : i32
      %get3A_125 = arith.index_cast %mul3A_124 : i32 to index
      %get3A_126 = tpu.vector_load %arg5[%get3A_125] {strides = array<i32>} : memref<32784xf32, #tpu.memory_space<vmem>>, vector<16xf32>,
      %get3A_127 = vector.shape_cast %get3A_126 : vector<16xf32> to vector<16xf32>
      %add3A_128 = arith.constant 1 : i32
      %add3A_129 = arith.addi %mul3A_124, %add3A_128 : i32
      %get3A_130 = arith.index_cast %add3A_129 : i32 to index
      %get3A_131 = tpu.vector_load %arg5[%get3A_130] {strides = array<i32>} : memref<32784xf32, #tpu.memory_space<vmem>>, vector<16xf32>,
      %get3A_132 = vector.shape_cast %get3A_131 : vector<16xf32> to vector<16xf32>
      %gt3A_133 = arith.cmpf ogt, %get3A_127, %get3A_132 : vector<16xf32>
      %jit3A_134 = arith.constant 1.000000e+00 : f32
      %jit3A_135 = arith.constant 0.000000e+00 : f32
      %broadcast_in_dim3A_136 = vector.broadcast %jit3A_134 : f32 to vector<16xf32>
      %broadcast_in_dim3A_137 = vector.broadcast %jit3A_135 : f32 to vector<16xf32>
      %select_n3A_138 = arith.select %gt3A_133, %broadcast_in_dim3A_136, %broadcast_in_dim3A_137 : vector<16xi1>, vector<16xf32>
      %add3A_139 = arith.addf %add3A_120, %select_n3A_138 : vector<16xf32>
      scf.yield %add3A_139 : vector<16xf32>
    }
    %scan3A_63 = arith.constant 2048 : i32
    %swap3A_64 = arith.constant 0 : index
    %swap3A_65 = tpu.vector_load %arg6[%swap3A_64] {strides = array<i32>} : memref<16xf32, #tpu.memory_space<vmem>>, vector<16xf32>,
    %swap3A_66 = vector.shape_cast %swap3A_65 : vector<16xf32> to vector<16xf32>
    %swap3A_67 = vector.shape_cast %scan3A_62 : vector<16xf32> to vector<16xf32>
    tpu.vector_store %arg6[%swap3A_64], %swap3A_67 {strides = array<i32>} : memref<16xf32, #tpu.memory_space<vmem>>, vector<16xf32>,
    "tpu.region"() ({
      %run_scoped3A = tpu.sem_alloc : memref<!tpu.dma_semaphore, #tpu.memory_space<semaphore_mem>>
      %dma_start3A_68 = arith.constant 0 : i32
      %dma_start3A_69 = tpu.memref_slice %arg3[%add3A, %dma_start3A_68] : memref<32x16xf32, #tpu.memory_space<hbm>> -> memref<1x16xf32, #tpu.memory_space<hbm>>
      %dma_start3A_70 = tpu.memref_squeeze %dma_start3A_69 : memref<1x16xf32, #tpu.memory_space<hbm>> -> memref<16xf32, #tpu.memory_space<hbm>>
      %dma_start3A_71 = arith.constant 0 : i32
      %dma_start3A_72 = tpu.memref_slice %arg3[%add3A, %dma_start3A_71] : memref<32x16xf32, #tpu.memory_space<hbm>> -> memref<1x16xf32, #tpu.memory_space<hbm>>
      %dma_start3A_73 = tpu.memref_squeeze %dma_start3A_72 : memref<1x16xf32, #tpu.memory_space<hbm>> -> memref<16xf32, #tpu.memory_space<hbm>>
      tpu.enqueue_dma source(%arg6 : memref<16xf32, #tpu.memory_space<vmem>>) target(%dma_start3A_73 : memref<16xf32, #tpu.memory_space<hbm>>) target_semaphore(%run_scoped3A : memref<!tpu.dma_semaphore, #tpu.memory_space<semaphore_mem>>)
      %dma_wait3A_74 = arith.constant 0 : i32
      %dma_wait3A_75 = tpu.memref_slice %arg3[%add3A, %dma_wait3A_74] : memref<32x16xf32, #tpu.memory_space<hbm>> -> memref<1x16xf32, #tpu.memory_space<hbm>>
      %dma_wait3A_76 = tpu.memref_squeeze %dma_wait3A_75 : memref<1x16xf32, #tpu.memory_space<hbm>> -> memref<16xf32, #tpu.memory_space<hbm>>
      %dma_wait3A_77 = arith.constant 0 : i32
      %dma_wait3A_78 = tpu.memref_slice %arg3[%add3A, %dma_wait3A_77] : memref<32x16xf32, #tpu.memory_space<hbm>> -> memref<1x16xf32, #tpu.memory_space<hbm>>
      %dma_wait3A_79 = tpu.memref_squeeze %dma_wait3A_78 : memref<1x16xf32, #tpu.memory_space<hbm>> -> memref<16xf32, #tpu.memory_space<hbm>>
      tpu.wait_dma2 semaphore(%run_scoped3A : memref<!tpu.dma_semaphore, #tpu.memory_space<semaphore_mem>>) src(%arg6 : memref<16xf32, #tpu.memory_space<vmem>>) dst(%dma_wait3A_79 : memref<16xf32, #tpu.memory_space<hbm>>)
      tpu.yield
    }) : () -> ()
    return
  }
}

</mosaic_0001>

<sc_bundles>
// kernel: kernel.3.cloned.1.call-start
scs
__scs_entry_jumppad:
0x0: {  	(pc) =	sbr.rel $0x88, $3  }
0x1: {  	(tag) =	ssettag $0x0;
	lr =	simm.s32 $0x1  }
0x2: {  	[smem:$0x3FA0] =	sst lr;
	_ =	strace $0xD0000000  }
0x3: {  	_ = 	snop  }
0x4: {  	_ = 	snop  }
0x5: {  	_ = 	snop  }
0x6: {  	_ = 	snop  }
0x7: {  	_ = 	snop  }
__scs_overlays_trampoline_lowered:
0x8: {  	[smem:$0x3FAF] =	sst s0  }
0x9: {  	[smem:$0x3FB0] =	sst s1  }
0xa: {  	[smem:$0x3FB1] =	sst s2  }
0xb: {  	[smem:$0x3FB2] =	sst s3  }
0xc: {  	[smem:$0x3FB3] =	sst s4  }
0xd: {  	[smem:$0x3FB4] =	sst s5  }
0xe: {  	[smem:$0x3FB5] =	sst s6  }
0xf: {  	[smem:$0x3FB6] =	sst s7  }
0x10: {  	[smem:$0x3FB7] =	sst s8  }
0x11: {  	[smem:$0x3FB8] =	sst s9;
	s0 =	simm.s32 @!p0 $0x0  }
0x12: {  	s1 =	sld [smem:$0x3F9E];
	s0 =	simm.s32 @p0 $0x1  }
0x13: {  	[smem:$0x3FB9] =	sst s0;
	s0 =	simm.s32 @!p1 $0x0  }
0x14: {  	s2 =	sld [smem:$0x3F9D];
	s0 =	simm.s32 @p1 $0x1  }
0x15: {  	[smem:$0x3FBA] =	sst s0;
	s0 =	simm.s32 @!p2 $0x0  }
0x16: {  	s3 =	sld [smem:$0x3FDB];
	s0 =	simm.s32 @p2 $0x1  }
0x17: {  	s4 =	simm.s32 $0x1BF5;
	[smem:$0x3FBC] =	sst s0  }
0x18: {  	s0 =	sld [smem:$0x3F9F];
	_ =	swait.ge [sflag:s4], $0x0  }
0x19: {  	s7 =	sld [smem:$0x3FA0]  }
0x1a: {  	s8 =	sadd.s32 $0xFFFFE003, lr  }
0x1b: {  	s9 =	sadd.s32 $0xFFFFFEF7, lr;
	s5 =	simm.s32 $0xFFFFFFFF;
	p2 =	slt.u32 s8, $0xFFFFF086  }
0x1c: {  	p1 =	slt.u32 s9, $0xF7A;
	s5 =	simm.s32 @!p2 $0x0  }
0x1d: {  	s5 =	simm.s32 @p1 $0x1;
	p0 =	seq.s32 s7, s2  }
0x1e: {  	s7 =	smul.u32 @!p0 $0xF7A, s2;
	p2 =	seq.s32 @!p0 s5, $0x0  }
0x1f: {  	s9 =	smul.u32 $0xF7A, s1;
	s8 =	simm.s32 @!p0 $0x1BF5;
	p2 =	por !p2, p0  }
0x20: {  	[sflag:s8] =	ssyncset.s32 @!p0 $0xFFFFF086;
	s6 =	sadd.s32 @!p0 s3, s7;
	s7 =	simm.s32 @!p0 $0x108  }
0x21: {  	s3 =	sadd.s32 s3, s9;
	s6 =	sadd.s32 @!p0 $0x88, s6;
	s7 =	simm.s32 @p2 $0x1082  }
0x22: {  	[simem:s7], [sflag:s8] =	dma.local @!p0 [hbm:s6], $0xF7A  }
0x23: {  	s9 =	sor.u32 $0xD0000000, s2;
	s6 =	simm.s32 $0x108;
	_ =	swait.ge @!p0 [sflag:s8], $0x0  }
0x24: {  	s3 =	sadd.s32 $0x88, s3;
	s6 =	simm.s32 @!p1 $0x1082;
	[sflag:s4] =	ssyncset.s32 $0xFFFFF086  }
0x25: {  	[simem:s6], [sflag:s4] =	dma.local [hbm:s3], $0xF7A  }
0x26: {  	[smem:$0x3FA0] =	sst s1;
	(tag) =	ssettag s2;
	_ =	strace s9  }
0x27: {  	s1 =	sld [smem:$0x3FB0]  }
0x28: {  	s2 =	sld [smem:$0x3FB1]  }
0x29: {  	s4 =	sld [smem:$0x3FB3]  }
0x2a: {  	p0 =	seq.s32 s5, $0x0;
	s5 =	sld [smem:$0x3FB4]  }
0x2b: {  	s6 =	sld [smem:$0x3FB5]  }
0x2c: {  	s7 =	sld [smem:$0x3FB6]  }
0x2d: {  	s3 =	simm.s32 $0x108;
	s8 =	sld [smem:$0x3FB7]  }
0x2e: {  	s3 =	simm.s32 @!p0 $0x1082;
	s9 =	sld [smem:$0x3FB8]  }
0x2f: {  	lr =	sadd.s32 s0, s3;
	s0 =	sld [smem:$0x3FAF]  }
0x30: {  	s3 =	sld [smem:$0x3FB2]  }
0x31: {  	[smem:$0x3FBB] =	sst s10  }
0x32: {  	s10 =	sld [smem:$0x3FB9];
	_ =	sdelay $0x3  }
0x33: {  	p0 =	seq.s32 s10, $0x1;
	s10 =	sld [smem:$0x3FBB];
	_ =	sdelay $0x3  }
0x34: {  	[smem:$0x3FBB] =	sst s10  }
0x35: {  	s10 =	sld [smem:$0x3FBA];
	_ =	sdelay $0x3  }
0x36: {  	p1 =	seq.s32 s10, $0x1;
	s10 =	sld [smem:$0x3FBB];
	_ =	sdelay $0x3  }
0x37: {  	[smem:$0x3FBB] =	sst s10  }
0x38: {  	s10 =	sld [smem:$0x3FBC]  }
0x39: {  	_ = 	snop;
	(pc) =	sbr.ind lr, $3  }
0x3a: {  	_ = 	snop  }
0x3b: {  	_ = 	snop  }
0x3c: {  	p2 =	seq.s32 s10, $0x1;
	s10 =	sld [smem:$0x3FBB]  }
0x3d: {  	_ =	shalt  }
0x3e: {  	_ =	shalt  }
0x3f: {  	_ =	shalt  }
0x40: {  	_ =	shalt  }
0x41: {  	_ =	shalt  }
0x42: {  	_ =	shalt  }
0x43: {  	_ =	shalt  }
0x44: {  	_ =	shalt  }
0x45: {  	_ =	shalt  }
0x46: {  	_ =	shalt  }
0x47: {  	_ =	shalt  }
0x48: {  	_ =	shalt  }
0x49: {  	_ =	shalt  }
0x4a: {  	_ =	shalt  }
0x4b: {  	_ =	shalt  }
0x4c: {  	_ =	shalt  }
0x4d: {  	_ =	shalt  }
0x4e: {  	_ =	shalt  }
0x4f: {  	_ =	shalt  }
0x50: {  	_ =	shalt  }
0x51: {  	_ =	shalt  }
0x52: {  	_ =	shalt  }
0x53: {  	_ =	shalt  }
0x54: {  	_ =	shalt  }
0x55: {  	_ =	shalt  }
0x56: {  	_ =	shalt  }
0x57: {  	_ =	shalt  }
0x58: {  	_ =	shalt  }
0x59: {  	_ =	shalt  }
0x5a: {  	_ =	shalt  }
0x5b: {  	_ =	shalt  }
0x5c: {  	_ =	shalt  }
0x5d: {  	_ =	shalt  }
0x5e: {  	_ =	shalt  }
0x5f: {  	_ =	shalt  }
0x60: {  	_ =	shalt  }
0x61: {  	_ =	shalt  }
0x62: {  	_ =	shalt  }
0x63: {  	_ =	shalt  }
0x64: {  	_ =	shalt  }
0x65: {  	_ =	shalt  }
0x66: {  	_ =	shalt  }
0x67: {  	_ =	shalt  }
0x68: {  	_ =	shalt  }
0x69: {  	_ =	shalt  }
0x6a: {  	_ =	shalt  }
0x6b: {  	_ =	shalt  }
0x6c: {  	_ =	shalt  }
0x6d: {  	_ =	shalt  }
0x6e: {  	_ =	shalt  }
0x6f: {  	_ =	shalt  }
0x70: {  	_ =	shalt  }
0x71: {  	_ =	shalt  }
0x72: {  	_ =	shalt  }
0x73: {  	_ =	shalt  }
0x74: {  	_ =	shalt  }
0x75: {  	_ =	shalt  }
0x76: {  	_ =	shalt  }
0x77: {  	_ =	shalt  }
0x78: {  	_ =	shalt  }
0x79: {  	_ =	shalt  }
0x7a: {  	_ =	shalt  }
0x7b: {  	_ =	shalt  }
0x7c: {  	_ =	shalt  }
0x7d: {  	_ =	shalt  }
0x7e: {  	_ =	shalt  }
0x7f: {  	_ =	shalt  }
0x80: {  	_ =	shalt  }
0x81: {  	_ =	shalt  }
0x82: {  	_ =	shalt  }
0x83: {  	_ =	shalt  }
0x84: {  	_ =	shalt  }
0x85: {  	_ =	shalt  }
0x86: {  	_ =	shalt  }
0x87: {  	_ =	shalt  }
.Lfunc_end0:
.L_simem_size_0:
called_computation_lowered:
.L_overlay_start_0:
0x88: {  	s2 =	sld [smem:$0x3FD9]  }
0x89: {  	s3 =	sld [smem:$0x3FFE];
	_ =	sdelay $0x1  }
0x8a: {  	s1 =	srdreg.scid  }
0x8b: {  	s0 =	sand.u32 $0x1, s1  }
0x8c: {  	s17 =	sshll.u32 s0, $0xA;
	s2 =	sadd.s32 s3, s2  }
0x8d: {  	s2 =	sadd.s32 s2, s17  }
0x8e: {  	[smem:$0x3FC7] =	sst s2  }
0x8f: {  	_ = 	snop  }
0x90: {  	s2 =	sld [smem:$0x3FC9];
	(tm) =	ssettm $0x1  }
0x91: {  	s18 =	sld [smem:$0x3FFB];
	_ =	sdelay $0x3  }
0x92: {  	_ =	strace s18  }
0x93: {  	s3 =	sld [smem:$0x3FFC];
	_ =	sdelay $0x3  }
0x94: {  	_ =	strace s3  }
0x95: {  	s3 =	sld [smem:$0x3FFD];
	_ =	sdelay $0x3  }
0x96: {  	_ =	strace s3  }
0x97: {  	_ =	strace $0x8FFFFFFF  }
0x98: {  	s19 =	sld [smem:$0x3FDB];
	_ =	sdelay $0x1  }
0x99: {  	s4 =	simm.s32 $_scs_section_size  }
0x9a: {  	s5 =	simm.s32 $_size__tile_overlayer_lowered;
	s6 =	simm.s32 $_tile_overlayer_lowered  }
0x9b: {  	s22 =	simm.s32 $0x1BFF;
	s21 =	sshll.u32 s6, $0x1;
	s3 =	sadd.s32 s4, s19  }
0x9c: {  	s7 =	simm.s32 $0x0;
	s20 =	sshll.u32 s5, $0x1;
	s5 =	sadd.s32 s21, s3  }
0x9d: {  	[timem:s7], [sflag:s22] =	dma.local [hbm:s5], s20  }
0x9e: {  	_ =	swait.ge [sflag:s22], s20  }
0x9f: {  	s4 =	ssub.s32 $0x0, s20;
	[sflag:s22] =	ssyncset.done $0x0  }
0xa0: {  	[sflag:s22] =	ssyncadd.s32 s4;
	_ =	sdelay $0x1  }
0xa1: {  	s23 =	simm.s32 $0x1B8B  }
0xa2: {  	_ =	swait.ge [sflag:s23], $0x1  }
0xa3: {  	[sflag:s23] =	ssyncset.done $0x0  }
0xa4: {  	s25 =	simm.s32 $0x1B8E;
	s24 =	sld [smem:$0x3FFE];
	[sflag:s23] =	ssyncadd.s32 $0xFFFFFFFF  }
0xa5: {  	s26 =	simm.s32 $execute0_lowered;
	[smem:$0x3FD2] =	sst s25  }
0xa6: {  	s5 =	sshll.u32 s26, $0x1;
	_ =	strace $0x80000046;
	[dreg:$0x1] =	wrdreg $0xFFFFFFFF  }
0xa7: {  	s28 =	simm.s32 $_size_execute0_lowered;
	s3 =	sadd.s32 s3, s5;
	[dreg:$0x0] =	wrdreg $0x0  }
0xa8: {  	s5 =	sshll.u32 s28, $0x1;
	[dreg:$0x2] =	wrdreg s3  }
0xa9: {  	[dreg:$0x3] =	wrdreg s5  }
0xaa: {  	[dreg:$0x4] =	wrdreg $0xC0  }
0xab: {  	_ =	task [dreg:s7], $0x5FFFF  }
0xac: {  	[dreg:$0x1] =	wrdreg $0xFFFFFFFF  }
0xad: {  	[dreg:$0x0] =	wrdreg $0x60  }
0xae: {  	[dreg:$0x2] =	wrdreg s2  }
0xaf: {  	[dreg:$0x3] =	wrdreg s24  }
0xb0: {  	[dreg:$0x4] =	wrdreg $0x9  }
0xb1: {  	_ =	task.clear_ibuf [dreg:s7], $0x5FFFF;
	_ =	strace $0x90000046  }
0xb2: {  	s29 =	simm.s32 $0x9;
	_ =	strace $0x80000048  }
0xb3: {  	_ =	swait.ge [sflag:s29], $0x1  }
0xb4: {  	[sflag:s29] =	ssyncadd.s32 $0xFFFFFFFF  }
0xb5: {  	_ =	strace $0x90000048  }
0xb6: {  	_ =	sfence  }
0xb7: {  	s30 =	sld [smem:$0x0];
	_ =	sdelay $0x2  }
0xb8: {  	s31 =	sshll.u32 s1, $0xD;
	s1 =	sshrl.u32 s1, $0x2  }
0xb9: {  	s3 =	sand.u32 $0x4000, s31;
	s1 =	sadd.s32 s1, s30  }
0xba: {  	s0 =	sor.u32 s3, s0;
	s1 =	sshll.u32 s1, $0x11  }
0xbb: {  	s0 =	sor.u32 s1, s0  }
0xbc: {  	s0 =	sadd.s32 $0x8F2B, s0  }
0xbd: {  	[sflag:s0] =	ssyncadd.remote.s32 $0x1  }
0xbe: {  	_ =	sfence.sel $0xFFFF  }
0xbf: {  	[dreg:$0x0] =	wrdreg $0xFFFFFFFF;
	(pc) =	sbr.abs _section_cstart, $3  }
0xc0: {  	[dreg:$0x1] =	wrdreg $0xFFFFFFFF  }
0xc1: {  	_ =	task.clear_ibuf [dreg:s7], $0x2FFFF;
	_ =	strace $0x9FFFFFFF  }
0xc2: {  	(tm) =	ssettm $0x7FFFFFFF  }
0xc3: {  	_ =	shalt  }
tec
execute0_lowered:
.L_overlay_start_1:
0x0: {  	(tag) =	ssettag $0x1  }
0x1: {  	s3 =	rddreg [dreg:$0x0];
	s1 =	srdreg.scid  }
0x2: {  	s0 =	stileid.u32;
	s5 =	rddreg [dreg:$0x1]  }
0x3: {  	s9 =	simm.s32 $0x8080;
	s10 =	simm.s32 $0x1;
	s11 =	simm.s32 $0x2  }
0x4: {  	s12 =	simm.s32 $0x10100;
	s13 =	simm.s32 $0x3;
	s14 =	simm.s32 $0x0  }
0x5: {  	s4 =	sand.u32 $0x1, s1;
	s2 =	sshll.u32 s0, $0x1;
	s1 =	rddreg [dreg:$0x2]  }
0x6: {  	s7 =	sshll.u32 s0, $0xE;
	s6 =	sor.u32 s4, s2;
	s2 =	simm.s32 $0x0  }
0x7: {  	s4 =	ssub.s32 $0x2, s4;
	s8 =	sshll.u32 s6, $0x5;
	[smem:$0x7FF] =	sst s2  }
0x8: {  	s30 =	sshrl.u32 s4, $0x1;
	s6 =	sshll.u32 s6, $0x4;
	s7 =	sor.u32 s7, s8  }
0x9: {  	_ =	strace $0x80000047;
	s31 =	ssub.s32 s4, s30;
	s7 =	sand.u32 $0x38060, s7  }
0xa: {  	s5 =	sadd.s32 s5, s6;
	s8 =	simm.s32 $0x400;
	s3 =	sadd.s32 s3, s7  }
0xb: {  	v0 =	vimm.f32 $+Inf;
	v1 =	vimm.f32 $0.0e+00;
	s6 =	smax.u32 s31, $0x1;
	s7 =	simm.s32 $0x80;
	s4 =	sadd.s32 $0x10, s3  }
.LBB2_1:
0xc: {  	[tilespmem:s2], [sflag:$0x1] =	stream.strided.gather [hbm4b:s3+s7], $0x8000, s8, s7, $0x38;
	[tilespmem:$0x10180] =	vst v63  }
0xd: {  	_ = 	snop  }
0xe: {  	[tilespmem:s9], [sflag:$0x2] =	stream.strided.gather [hbm4b:s4+s7], $0x8000, s8, s7, $0x38;
	[tilespmem:$0x10180] =	vst v63  }
0xf: {  	_ =	swait.ge [sflag:s10], $0x8000  }
0x10: {  	[sflag:s10] =	ssyncset.done $0x0  }
0x11: {  	[sflag:s10] =	ssyncadd.s32 $0xFFFF8000  }
0x12: {  	s16 =	simm.s32 $0x20;
	[tilespmem:$0x8000] =	vst v0  }
0x13: {  	v2 =	vld [tilespmem:s16+$0xFFFFFFE0]  }
0x14: {  	v6 =	vld [tilespmem:s16+$0xFFFFFFE1]  }
0x15: {  	v4 =	vld [tilespmem:s16+$0xFFFFFFF0]  }
0x16: {  	v7 =	vld [tilespmem:s16+$0xFFFFFFF1]  }
0x17: {  	v3 =	vld [tilespmem:s16+$0x0]  }
0x18: {  	v5 =	vld [tilespmem:s16+$0x1]  }
0x19: {  	vm0 =	vgt.f32 v2, v6;
	v2 =	vld [tilespmem:s16+$0x10]  }
0x1a: {  	s15 =	simm.s32 $0x0;
	v9 =	vimm.f32 $0.0e+00;
	v6 =	vld [tilespmem:s16+$0x11];
	s16 =	simm.s32 $0x60;
	v8 =	vsel vm0, $0x3F800000, v1  }
.LBB2_2:
0x1b: {  	v10 =	vld [tilespmem:s16+$0xFFFFFFE0];
	v8 =	vadd.f32 v8, v9;
	vm0 =	vgt.f32 v4, v7  }
0x1c: {  	s15 =	sadd.s32 $0x4, s15;
	v9 =	vld [tilespmem:s16+$0xFFFFFFE1];
	v7 =	vsel vm0, $0x3F800000, v1  }
0x1d: {  	p0 =	slt.u32 s15, $0x7FC;
	v4 =	vld [tilespmem:s16+$0xFFFFFFF0];
	v8 =	vadd.f32 v7, v8;
	vm0 =	vgt.f32 v3, v5  }
.Ltmp0:
0x1e: {  	v7 =	vld [tilespmem:s16+$0xFFFFFFF1];
	v5 =	vsel vm0, $0x3F800000, v1;
	(pc) =	sbr.rel @p0 .LBB2_2-.Ltmp0, $4  }
0x1f: {  	v3 =	vld [tilespmem:s16+$0x0];
	v8 =	vadd.f32 v5, v8;
	vm0 =	vgt.f32 v2, v6  }
0x20: {  	v5 =	vld [tilespmem:s16+$0x1];
	v6 =	vsel vm0, $0x3F800000, v1  }
0x21: {  	vm0 =	vgt.f32 v10, v9;
	v2 =	vld [tilespmem:s16+$0x10];
	v9 =	vadd.f32 v6, v8  }
0x22: {  	v8 =	vsel vm0, $0x3F800000, v1;
	v6 =	vld [tilespmem:s16+$0x11];
	s16 =	sadd.s32 $0x40, s16  }
0x23: {  	_ =	swait.ge [sflag:s11], $0x8000  }
0x24: {  	[sflag:s11] =	ssyncset.done $0x0  }
0x25: {  	[sflag:s11] =	ssyncadd.s32 $0xFFFF8000  }
0x26: {  	s16 =	simm.s32 $0x80A0;
	[tilespmem:$0x10080] =	vst v0  }
0x27: {  	v8 =	vadd.f32 v8, v9;
	vm0 =	vgt.f32 v4, v7;
	v10 =	vld [tilespmem:s16+$0xFFFFFFE0]  }
0x28: {  	v9 =	vsel vm0, $0x3F800000, v1;
	v7 =	vld [tilespmem:s16+$0xFFFFFFE1]  }
0x29: {  	v8 =	vadd.f32 v9, v8;
	vm13 =	vgt.f32 v3, v5;
	v4 =	vld [tilespmem:s16+$0xFFFFFFF0]  }
0x2a: {  	v9 =	vsel vm13, $0x3F800000, v1;
	v5 =	vld [tilespmem:s16+$0xFFFFFFF1]  }
0x2b: {  	v3 =	vld [tilespmem:s16+$0x0];
	v8 =	vadd.f32 v9, v8;
	vm14 =	vgt.f32 v2, v6  }
0x2c: {  	v6 =	vld [tilespmem:s16+$0x1];
	v9 =	vsel vm14, $0x3F800000, v1  }
0x2d: {  	v2 =	vld [tilespmem:s16+$0x10];
	v8 =	vadd.f32 v9, v8;
	vm15 =	vgt.f32 v10, v7  }
0x2e: {  	s15 =	simm.s32 $0x0;
	v7 =	vld [tilespmem:s16+$0x11];
	s16 =	simm.s32 $0x80E0;
	v9 =	vsel vm15, $0x3F800000, v1  }
.LBB2_4:
0x2f: {  	v10 =	vld [tilespmem:s16+$0xFFFFFFE0];
	v8 =	vadd.f32 v9, v8;
	vm0 =	vgt.f32 v4, v5  }
0x30: {  	s15 =	sadd.s32 $0x4, s15;
	v9 =	vld [tilespmem:s16+$0xFFFFFFE1];
	v5 =	vsel vm0, $0x3F800000, v1  }
0x31: {  	p0 =	slt.u32 s15, $0x7FC;
	v4 =	vld [tilespmem:s16+$0xFFFFFFF0];
	v8 =	vadd.f32 v5, v8;
	vm0 =	vgt.f32 v3, v6  }
.Ltmp1:
0x32: {  	v5 =	vld [tilespmem:s16+$0xFFFFFFF1];
	v6 =	vsel vm0, $0x3F800000, v1;
	(pc) =	sbr.rel @p0 .LBB2_4-.Ltmp1, $4  }
0x33: {  	v3 =	vld [tilespmem:s16+$0x0];
	v8 =	vadd.f32 v6, v8;
	vm0 =	vgt.f32 v2, v7  }
0x34: {  	v6 =	vld [tilespmem:s16+$0x1];
	v7 =	vsel vm0, $0x3F800000, v1  }
0x35: {  	vm0 =	vgt.f32 v10, v9;
	v2 =	vld [tilespmem:s16+$0x10];
	v8 =	vadd.f32 v7, v8  }
0x36: {  	v9 =	vsel vm0, $0x3F800000, v1;
	v7 =	vld [tilespmem:s16+$0x11];
	s16 =	sadd.s32 $0x40, s16  }
0x37: {  	v8 =	vadd.f32 v9, v8;
	vm0 =	vgt.f32 v4, v5  }
0x38: {  	v4 =	vsel vm0, $0x3F800000, v1  }
0x39: {  	v4 =	vadd.f32 v4, v8;
	vm14 =	vgt.f32 v3, v6  }
0x3a: {  	v3 =	vsel vm14, $0x3F800000, v1  }
0x3b: {  	v3 =	vadd.f32 v3, v4;
	vm15 =	vgt.f32 v2, v7  }
0x3c: {  	v2 =	vsel vm15, $0x3F800000, v1  }
0x3d: {  	s14 =	sadd.s32 $0x1, s14;
	v2 =	vadd.f32 v2, v3  }
0x3e: {  	p0 =	sne.s32 s14, s6  }
.Ltmp2:
0x3f: {  	[tilespmem:$0x10100] =	vst v2;
	(pc) =	sbr.rel @p0 .LBB2_1-.Ltmp2, $4  }
0x40: {  	[hbm4b:s5+s2] =	stream.linear.scatter [tilespmem:s12], [sflag:$0x3], $0x80, $0x38;
	[tilespmem:$0x10180] =	vst v63  }
0x41: {  	_ =	swait.ge [sflag:s13], $0x80  }
0x42: {  	[sflag:s13] =	ssyncset.done $0x0  }
0x43: {  	[sflag:s13] =	ssyncadd.s32 $0xFFFFFF80  }
0x44: {  	_ =	sfence.sel $0x180000  }
0x45: {  	[bflag:$0x0] =	sbarrier.arrive $0xFFFF  }
0x46: {  	p0 =	sne.s32 s0, $0x0;
	_ =	strace $0x90000047  }
0x47: {  	s0 =	sadd.s32 @!p0 $0x100000, s1;
	[bflag:$0x2] =	sbarrier.arrive $0xFFFF  }
0x48: {  	[sflag:s0] =	ssyncadd.tile.s32 @!p0 $0x1;
	_ =	shalt  }
.Lfunc_end2:
_tile_overlayer_lowered:
.L_overlay_start_2:
0x49: {  	(tag) =	ssettag $0x2  }
0x4a: {  	s0 =	rddreg [dreg:$0x0];
	s2 =	stileid.u32  }
0x4b: {  	s1 =	rddreg [dreg:$0x1];
	p0 =	sne.s32 s2, $0x0  }
0x4c: {  	s3 =	rddreg [dreg:$0x2];
	[bflag:$0x3] =	sbarrier.arrive $0xFFFF;
	s2 =	simm.s32 @!p0 $0x1C03  }
0x4d: {  	[timem:s3], [sflag:s2] =	dma.local @!p0 [hbm:s0], s1  }
0x4e: {  	s0 =	simm.s32 @!p0 $0x3  }
0x4f: {  	_ =	swait.ge @!p0 [sflag:s0], s1  }
0x50: {  	s1 =	ssub.s32 @!p0 $0x0, s1;
	[sflag:s0] =	ssyncset.done @!p0 $0x0  }
0x51: {  	[sflag:s0] =	ssyncadd.s32 @!p0 s1  }
0x52: {  	[bflag:$0x3] =	sbarrier.arrive $0xFFFF  }
0x53: {  	_ =	shalt  }

</sc_bundles>
